<compile_context>
chip_gen: v7x
topology: tpu7x:2x2x1
jax: 0.10.2.dev20260603
libtpu: 0.0.44.dev20260713+nightly
codegen_flags: <defaults>
</compile_context>

<pallas_src>
import functools

import jax
import jax.numpy as jnp
from jax import lax
from jax.experimental import pallas as pl
from jax.experimental.pallas import tpu as pltpu
from jax.experimental.pallas import tpu_sc as plsc

B = 32
C = 96
S = 9216
K = 1024
LA = 8
SP = S + 128
BB = 2


def _sortable(bits):
    return bits ^ ((bits >> 31) & jnp.int32(0x7FFFFFFF))


def _tc_body(f_ref, la_ref, wa_ref, out_ref, sp_ref):
    keys = []
    for bb in range(BB):
        la = la_ref[bb]
        x_row = jnp.max(la, axis=0, keepdims=True)

        fs = f_ref[bb] * x_row
        fa = jnp.concatenate([fs, x_row], axis=0)
        out_ref[bb] = lax.dot_general(
            wa_ref[...], fa,
            dimension_numbers=(((1,), (0,)), ((), ())),
            preferred_element_type=jnp.float32,
        )

        xc = jnp.where(x_row == 0.0, jnp.float32(0.0), x_row)
        sp_ref[bb, 0, pl.ds(0, S)] = xc[0]
        keys.append(_sortable(
            lax.bitcast_convert_type(xc.reshape(72, 128), jnp.int32)))

    def search(it, carry):
        inc = lax.shift_left(jnp.int32(1), jnp.int32(31) - it)
        new = []
        for bb in range(BB):
            cand = carry[bb] + inc
            cnt = jnp.sum((keys[bb] >= cand).astype(jnp.int32))
            new.append(jnp.where(cnt >= K, cand, carry[bb]))
        return tuple(new)

    tmin = jnp.int32(-2147483648)
    tstars = lax.fori_loop(0, 32, search, (tmin,) * BB)

    lane = lax.broadcasted_iota(jnp.int32, (1, 128), 1)
    for bb in range(BB):
        tstar = tstars[bb]
        n_gt = jnp.sum((keys[bb] > tstar).astype(jnp.int32))
        th_f = lax.bitcast_convert_type(_sortable(tstar), jnp.float32)
        ngt_f = lax.bitcast_convert_type(n_gt, jnp.float32)
        pack = jnp.where(lane < 16, th_f, ngt_f)
        sp_ref[bb, 0, pl.ds(S, 128)] = pack[0]


def _tc_call(f3, la3, wa):
    return pl.pallas_call(
        _tc_body,
        grid=(B // BB,),
        in_specs=[
            pl.BlockSpec((BB, C, S), lambda i: (i, 0, 0)),
            pl.BlockSpec((BB, LA, S), lambda i: (i, 0, 0)),
            pl.BlockSpec((C, C + 1), lambda i: (0, 0)),
        ],
        out_specs=[
            pl.BlockSpec((BB, C, S), lambda i: (i, 0, 0)),
            pl.BlockSpec((BB, 1, SP), lambda i: (i, 0, 0)),
        ],
        out_shape=[
            jax.ShapeDtypeStruct((B, C, S), jnp.float32),
            jax.ShapeDtypeStruct((B, 1, SP), jnp.float32),
        ],
        compiler_params=pltpu.CompilerParams(
            dimension_semantics=("parallel",),
            allow_input_fusion=[True, True, False]),
    )(f3, la3, wa)


@functools.lru_cache(maxsize=1)
def _make_sc_topk():
    mesh = plsc.VectorSubcoreMesh(core_axis_name="c", subcore_axis_name="s")
    n_chunks = S // 16

    @functools.partial(
        pl.kernel,
        mesh=mesh,
        out_type=jax.ShapeDtypeStruct((B, K), jnp.int32),
        scratch_types=[
            pltpu.VMEM((SP,), jnp.float32),
            pltpu.VMEM((K,), jnp.int32),
        ],
        compiler_params=pltpu.CompilerParams(needs_layout_passes=False),
    )
    def topk(sp_hbm, out_hbm, sc_v, idx_v):
        cid = lax.axis_index("c")
        sid = lax.axis_index("s")
        wid = sid * 2 + cid

        pltpu.sync_copy(sp_hbm.at[wid], sc_v)

        thr = sc_v[pl.ds(S, 16)]
        ngt = plsc.bitcast(sc_v[pl.ds(S + 16, 16)], jnp.int32)
        need_eq = jnp.int32(K) - ngt
        lane = lax.iota(jnp.int32, 16)

        def body(v, carry):
            off, eq_seen = carry
            scv = sc_v[pl.ds(v * 16, 16)]
            gt = scv > thr
            eq = scv == thr
            eqc = plsc.cumsum(eq.astype(jnp.int32))
            sel = jnp.logical_and(eq, (eqc + eq_seen) <= need_eq)
            keep = jnp.logical_or(gt, sel)
            pos = off + plsc.cumsum(keep.astype(jnp.int32)) - 1
            idx = lane + v * 16
            plsc.store_scatter(idx_v, [pos], idx, mask=keep)
            off = off + plsc.all_reduce_population_count(keep)
            eq_seen = eq_seen + plsc.all_reduce_population_count(sel)
            return off, eq_seen

        zeros = jnp.zeros((16,), jnp.int32)
        lax.fori_loop(0, n_chunks, body, (zeros, zeros))
        pltpu.sync_copy(idx_v, out_hbm.at[wid])

    return topk


@jax.jit
def kernel(feature, la_outs, W, b):
    f3 = feature.reshape(B, C, S)
    la3 = la_outs.reshape(B, LA, S)
    wa = jnp.concatenate([W, b[:, None]], axis=1)

    out3, sp = _tc_call(f3, la3, wa)
    keep_index = _make_sc_topk()(sp.reshape(B, SP))
    return out3.swapaxes(1, 2), keep_index

# --- scband reference (transcript-rebuilt; emitter-appended) ---
"""Pipeline reference for scband-max-hybrid-flatten-54116587929984 (READ-ONLY COPY).

The authoritative reference and input builder live on the scoring server;
editing this copy changes nothing except your own understanding.
"""

import jax, jax.numpy as jnp
import numpy as np

KEEP_NUM = 1024
ALPHA1 = 1.0
ALPHA2 = 0.0
EXCLUDE_FIRST = False


def top_pool(atten, keep_num, alpha1, alpha2, exclude_first):
    # atten: (B, L, 1). Score each token, take top-k indices (sorted ascending).
    scores = alpha1 * atten[..., 0] + alpha2
    if exclude_first:
        scores = scores.at[:, 0].set(jnp.inf)
    _, idx = jax.lax.top_k(scores, keep_num)
    return jnp.sort(idx, axis=-1)


def setup_inputs(seed: int = 0) -> dict:
    key = jax.random.key(seed)
    k1, k2, k3 = jax.random.split(key, 3)
    feature = jax.random.normal(k1, (32, 96, 96, 96), dtype=jnp.float32)  # (B, C, H, W)
    la_outs = jax.random.normal(k2, (32, 8, 96, 96), dtype=jnp.float32)   # concat of 8 LA maps (B, N, H, W)
    W = jax.random.normal(k3, (96, 96), dtype=jnp.float32) * 0.02         # 1x1 conv weight (out_c, in_c)
    b = jnp.zeros((96,), dtype=jnp.float32)
    return {"feature": feature, "la_outs": la_outs, "W": W, "b": b}


def reference(feature, la_outs, W, b):
    # x = max over the LA feature maps, keepdim -> (B, 1, H, W)
    x = jnp.max(la_outs, axis=1, keepdims=True)
    # 1x1 conv projection of feature: (B, C, H, W) -> (B, embed_dim, H, W)
    feat = jnp.einsum('bchw,oc->bohw', feature, W) + b[None, :, None, None]
    feat = feat * x
    B = feat.shape[0]
    outs = feat.reshape(B, feat.shape[1], -1).transpose(0, 2, 1)  # (B, H*W, embed_dim)
    atten = x.reshape(B, -1, 1)
    keep_index = top_pool(atten, KEEP_NUM, ALPHA1, ALPHA2, EXCLUDE_FIRST)
    return outs, keep_index

if __name__ == "__main__":
    import jax
    _d = setup_inputs()
    print(jax.jit(kernel)(*tuple(_d.values())))

</pallas_src>

<mosaic_0001>
#map = affine_map<(d0, d1) -> (0, 0)>
module attributes {stable_mosaic.version = 14 : i64} {
  func.func @topk(%arg0: i32, %arg1: i32, %arg2: memref<32x9344xf32, #tpu.memory_space<hbm>>, %arg3: memref<32x1024xi32, #tpu.memory_space<hbm>>, %arg4: memref<9344xf32, #tpu.memory_space<vmem>>, %arg5: memref<1024xi32, #tpu.memory_space<vmem>>) attributes {dimension_semantics = [#tpu.dimension_semantics<core_parallel>, #tpu.dimension_semantics<subcore_parallel>], iteration_bounds = array<i64: 2, 16>, scalar_prefetch = 0 : i64, scratch_operands = 2 : i64, tpu.core_type = #tpu.core_type<sc_vector_subcore>, window_params = [{transform_indices = #map}, {transform_indices = #map}]} {
    %mul3A = arith.constant 2 : i32
    %mul3A_0 = arith.muli %arg1, %mul3A : i32
    %add3A = arith.addi %mul3A_0, %arg0 : i32
    "tpu.region"() ({
      %run_scoped3A = tpu.sem_alloc : memref<!tpu.dma_semaphore, #tpu.memory_space<semaphore_mem>>
      %dma_start3A = arith.constant 0 : i32
      %dma_start3A_12 = tpu.memref_slice %arg2[%add3A, %dma_start3A] : memref<32x9344xf32, #tpu.memory_space<hbm>> -> memref<1x9344xf32, #tpu.memory_space<hbm>>
      %dma_start3A_13 = tpu.memref_squeeze %dma_start3A_12 : memref<1x9344xf32, #tpu.memory_space<hbm>> -> memref<9344xf32, #tpu.memory_space<hbm>>
      %dma_start3A_14 = arith.constant 0 : i32
      %dma_start3A_15 = tpu.memref_slice %arg2[%add3A, %dma_start3A_14] : memref<32x9344xf32, #tpu.memory_space<hbm>> -> memref<1x9344xf32, #tpu.memory_space<hbm>>
      %dma_start3A_16 = tpu.memref_squeeze %dma_start3A_15 : memref<1x9344xf32, #tpu.memory_space<hbm>> -> memref<9344xf32, #tpu.memory_space<hbm>>
      tpu.enqueue_dma source(%dma_start3A_16 : memref<9344xf32, #tpu.memory_space<hbm>>) target(%arg4 : memref<9344xf32, #tpu.memory_space<vmem>>) target_semaphore(%run_scoped3A : memref<!tpu.dma_semaphore, #tpu.memory_space<semaphore_mem>>)
      %dma_wait3A = arith.constant 0 : i32
      %dma_wait3A_17 = tpu.memref_slice %arg2[%add3A, %dma_wait3A] : memref<32x9344xf32, #tpu.memory_space<hbm>> -> memref<1x9344xf32, #tpu.memory_space<hbm>>
      %dma_wait3A_18 = tpu.memref_squeeze %dma_wait3A_17 : memref<1x9344xf32, #tpu.memory_space<hbm>> -> memref<9344xf32, #tpu.memory_space<hbm>>
      %dma_wait3A_19 = arith.constant 0 : i32
      %dma_wait3A_20 = tpu.memref_slice %arg2[%add3A, %dma_wait3A_19] : memref<32x9344xf32, #tpu.memory_space<hbm>> -> memref<1x9344xf32, #tpu.memory_space<hbm>>
      %dma_wait3A_21 = tpu.memref_squeeze %dma_wait3A_20 : memref<1x9344xf32, #tpu.memory_space<hbm>> -> memref<9344xf32, #tpu.memory_space<hbm>>
      tpu.wait_dma2 semaphore(%run_scoped3A : memref<!tpu.dma_semaphore, #tpu.memory_space<semaphore_mem>>) src(%dma_wait3A_21 : memref<9344xf32, #tpu.memory_space<hbm>>) dst(%arg4 : memref<9344xf32, #tpu.memory_space<vmem>>)
      tpu.yield
    }) : () -> ()
    %get3A = arith.constant 9216 : index
    %get3A_1 = tpu.vector_load %arg4[%get3A] {strides = array<i32>} : memref<9344xf32, #tpu.memory_space<vmem>>, vector<16xf32>,
    %get3A_2 = arith.constant 9232 : index
    %get3A_3 = tpu.vector_load %arg4[%get3A_2] {strides = array<i32>} : memref<9344xf32, #tpu.memory_space<vmem>>, vector<16xf32>,
    %bitcast3A = vector.bitcast %get3A_3 : vector<16xf32> to vector<16xi32>
    %sub3A = arith.constant 1024 : i32
    %sub3A_4 = vector.broadcast %sub3A : i32 to vector<16xi32>
    %sub3A_5 = arith.subi %sub3A_4, %bitcast3A : vector<16xi32>
    %iota3A = tpu.iota {dimensions = array<i32: 0>} : vector<16xi32>
    %broadcast_in_dim3A = arith.constant 0 : i32
    %broadcast_in_dim3A_6 = vector.broadcast %broadcast_in_dim3A : i32 to vector<16xi32>
    %scan3A = arith.constant 0 : i32
    %scan3A_7 = arith.constant 576 : i32
    %scan3A_8 = arith.addi %scan3A, %scan3A_7 : i32
    %scan3A_9 = arith.constant 1 : i32
    %scan3A_10:2 = scf.for %scan3A_12 = %scan3A to %scan3A_8 step %scan3A_9 iter_args(%scan3A_13 = %broadcast_in_dim3A_6, %scan3A_14 = %broadcast_in_dim3A_6) -> (vector<16xi32>, vector<16xi32>)  : i32 {
      %mul3A_15 = arith.constant 16 : i32
      %mul3A_16 = arith.muli %scan3A_12, %mul3A_15 : i32
      %get3A_17 = arith.index_cast %mul3A_16 : i32 to index
      %get3A_18 = tpu.vector_load %arg4[%get3A_17] {strides = array<i32>} : memref<9344xf32, #tpu.memory_space<vmem>>, vector<16xf32>,
      %gt3A = arith.cmpf ogt, %get3A_18, %get3A_1 : vector<16xf32>
      %eq3A = arith.cmpf oeq, %get3A_18, %get3A_1 : vector<16xf32>
      %convert_element_type3A = arith.extui %eq3A : vector<16xi1> to vector<16xi32>
      %broadcast_in_dim3A_19 = arith.constant true
      %broadcast_in_dim3A_20 = vector.broadcast %broadcast_in_dim3A_19 : i1 to vector<16xi1>
      %masked_cumsum3A = tpu.scan <sum>, %convert_element_type3A masked %broadcast_in_dim3A_20 : vector<16xi32>, vector<16xi1> -> vector<16xi32>
      %add3A_21 = arith.addi %masked_cumsum3A, %scan3A_14 : vector<16xi32>
      %le3A = arith.cmpi sle, %add3A_21, %sub3A_5 : vector<16xi32>
      %and3A = arith.andi %eq3A, %le3A : vector<16xi1>
      %or3A = arith.ori %gt3A, %and3A : vector<16xi1>
      %convert_element_type3A_22 = arith.extui %or3A : vector<16xi1> to vector<16xi32>
      %broadcast_in_dim3A_23 = arith.constant true
      %broadcast_in_dim3A_24 = vector.broadcast %broadcast_in_dim3A_23 : i1 to vector<16xi1>
      %masked_cumsum3A_25 = tpu.scan <sum>, %convert_element_type3A_22 masked %broadcast_in_dim3A_24 : vector<16xi32>, vector<16xi1> -> vector<16xi32>
      %add3A_26 = arith.addi %scan3A_13, %masked_cumsum3A_25 : vector<16xi32>
      %sub3A_27 = arith.constant 1 : i32
      %sub3A_28 = vector.broadcast %sub3A_27 : i32 to vector<16xi32>
      %sub3A_29 = arith.subi %add3A_26, %sub3A_28 : vector<16xi32>
      %mul3A_30 = arith.constant 16 : i32
      %mul3A_31 = arith.muli %scan3A_12, %mul3A_30 : i32
      %add3A_32 = vector.broadcast %mul3A_31 : i32 to vector<16xi32>
      %add3A_33 = arith.addi %iota3A, %add3A_32 : vector<16xi32>
      tpu.vector_store_idx %arg5[%sub3A_29], %add3A_33 masked %or3A : memref<1024xi32, #tpu.memory_space<vmem>>[vector<16xi32>], vector<16xi32>, vector<16xi1>
      %all_reduce_population_count3A = tpu.all_reduce %or3A {dim = 0 : i64, kind = #tpu.reduction_kind<sum>} : vector<16xi1> -> vector<16xi32>
      %add3A_34 = arith.addi %scan3A_13, %all_reduce_population_count3A : vector<16xi32>
      %all_reduce_population_count3A_35 = tpu.all_reduce %and3A {dim = 0 : i64, kind = #tpu.reduction_kind<sum>} : vector<16xi1> -> vector<16xi32>
      %add3A_36 = arith.addi %scan3A_14, %all_reduce_population_count3A_35 : vector<16xi32>
      scf.yield %add3A_34, %add3A_36 : vector<16xi32>, vector<16xi32>
    }
    %scan3A_11 = arith.constant 576 : i32
    "tpu.region"() ({
      %run_scoped3A = tpu.sem_alloc : memref<!tpu.dma_semaphore, #tpu.memory_space<semaphore_mem>>
      %dma_start3A = arith.constant 0 : i32
      %dma_start3A_12 = tpu.memref_slice %arg3[%add3A, %dma_start3A] : memref<32x1024xi32, #tpu.memory_space<hbm>> -> memref<1x1024xi32, #tpu.memory_space<hbm>>
      %dma_start3A_13 = tpu.memref_squeeze %dma_start3A_12 : memref<1x1024xi32, #tpu.memory_space<hbm>> -> memref<1024xi32, #tpu.memory_space<hbm>>
      %dma_start3A_14 = arith.constant 0 : i32
      %dma_start3A_15 = tpu.memref_slice %arg3[%add3A, %dma_start3A_14] : memref<32x1024xi32, #tpu.memory_space<hbm>> -> memref<1x1024xi32, #tpu.memory_space<hbm>>
      %dma_start3A_16 = tpu.memref_squeeze %dma_start3A_15 : memref<1x1024xi32, #tpu.memory_space<hbm>> -> memref<1024xi32, #tpu.memory_space<hbm>>
      tpu.enqueue_dma source(%arg5 : memref<1024xi32, #tpu.memory_space<vmem>>) target(%dma_start3A_16 : memref<1024xi32, #tpu.memory_space<hbm>>) target_semaphore(%run_scoped3A : memref<!tpu.dma_semaphore, #tpu.memory_space<semaphore_mem>>)
      %dma_wait3A = arith.constant 0 : i32
      %dma_wait3A_17 = tpu.memref_slice %arg3[%add3A, %dma_wait3A] : memref<32x1024xi32, #tpu.memory_space<hbm>> -> memref<1x1024xi32, #tpu.memory_space<hbm>>
      %dma_wait3A_18 = tpu.memref_squeeze %dma_wait3A_17 : memref<1x1024xi32, #tpu.memory_space<hbm>> -> memref<1024xi32, #tpu.memory_space<hbm>>
      %dma_wait3A_19 = arith.constant 0 : i32
      %dma_wait3A_20 = tpu.memref_slice %arg3[%add3A, %dma_wait3A_19] : memref<32x1024xi32, #tpu.memory_space<hbm>> -> memref<1x1024xi32, #tpu.memory_space<hbm>>
      %dma_wait3A_21 = tpu.memref_squeeze %dma_wait3A_20 : memref<1x1024xi32, #tpu.memory_space<hbm>> -> memref<1024xi32, #tpu.memory_space<hbm>>
      tpu.wait_dma2 semaphore(%run_scoped3A : memref<!tpu.dma_semaphore, #tpu.memory_space<semaphore_mem>>) src(%arg5 : memref<1024xi32, #tpu.memory_space<vmem>>) dst(%dma_wait3A_21 : memref<1024xi32, #tpu.memory_space<hbm>>)
      tpu.yield
    }) : () -> ()
    return
  }
}

module attributes {stable_mosaic.version = 14 : i64} {
  func.func @_tc_body(%arg0: i32, %arg1: memref<2x96x9216xf32, #tpu.memory_space<vmem>>, %arg2: memref<2x8x9216xf32, #tpu.memory_space<vmem>>, %arg3: memref<96x97xf32, #tpu.memory_space<vmem>>, %arg4: memref<2x96x9216xf32, #tpu.memory_space<vmem>>, %arg5: memref<2x1x9344xf32, #tpu.memory_space<vmem>>) attributes {dimension_semantics = [#tpu.dimension_semantics<parallel>], iteration_bounds = array<i64: 16>, scalar_prefetch = 0 : i64, scratch_operands = 0 : i64, tpu.core_type = #tpu.core_type<tc>, window_params = [{transform_indices = @transform_0, window_bounds = array<i64: 2, 96, 9216>}, {transform_indices = @transform_1, window_bounds = array<i64: 2, 8, 9216>}, {pipeline_mode = #tpu.pipeline_mode<synchronous>, transform_indices = @transform_2, window_bounds = array<i64: 96, 97>}, {transform_indices = @transform_3, window_bounds = array<i64: 2, 96, 9216>}, {transform_indices = @transform_4, window_bounds = array<i64: 2, 1, 9344>}]} {
    %get3A = arith.constant 0 : index
    %get3A_0 = arith.constant 0 : index
    %get3A_1 = arith.constant 0 : index
    %get3A_2 = vector.load %arg2[%get3A, %get3A_0, %get3A_1] : memref<2x8x9216xf32, #tpu.memory_space<vmem>>, vector<1x8x9216xf32>
    %get3A_3 = vector.shape_cast %get3A_2 : vector<1x8x9216xf32> to vector<8x9216xf32>
    %reduce_max3A = arith.constant dense<0xFF800000> : vector<9216xf32>
    %reduce_max3A_4 = vector.multi_reduction <maximumf>, %get3A_3, %reduce_max3A [0] : vector<8x9216xf32> to vector<9216xf32>
    %broadcast_in_dim3A = vector.shape_cast %reduce_max3A_4 : vector<9216xf32> to vector<1x9216xf32>
    %get3A_5 = arith.constant 0 : index
    %get3A_6 = arith.constant 0 : index
    %get3A_7 = arith.constant 0 : index
    %get3A_8 = vector.load %arg1[%get3A_5, %get3A_6, %get3A_7] : memref<2x96x9216xf32, #tpu.memory_space<vmem>>, vector<1x96x9216xf32>
    %get3A_9 = vector.shape_cast %get3A_8 : vector<1x96x9216xf32> to vector<96x9216xf32>
    %mul3A = vector.broadcast %broadcast_in_dim3A : vector<1x9216xf32> to vector<96x9216xf32>
    %mul3A_10 = arith.mulf %get3A_9, %mul3A : vector<96x9216xf32>
    %concatenate3A = tpu.concatenate %mul3A_10, %broadcast_in_dim3A in 0 : vector<96x9216xf32>, vector<1x9216xf32> -> vector<97x9216xf32>
    %get3A_11 = arith.constant 0 : index
    %get3A_12 = arith.constant 0 : index
    %get3A_13 = vector.load %arg3[%get3A_11, %get3A_12] : memref<96x97xf32, #tpu.memory_space<vmem>>, vector<96x97xf32>
    %dot_general3A = arith.constant dense<0.000000e+00> : vector<96x9216xf32>
    %dot_general3A_14 = tpu.matmul %get3A_13, %concatenate3A, %dot_general3A {dimension_numbers = #tpu.dot_dimension_numbers<[1], [0], [0], [1], [0, 0, 1, 1], [], []>, transpose_lhs_hint = false} : vector<96x97xf32>, vector<97x9216xf32>, vector<96x9216xf32> -> vector<96x9216xf32>
    %swap3A = arith.constant 0 : index
    %swap3A_15 = arith.constant 0 : index
    %swap3A_16 = arith.constant 0 : index
    %swap3A_17 = vector.load %arg4[%swap3A, %swap3A_15, %swap3A_16] : memref<2x96x9216xf32, #tpu.memory_space<vmem>>, vector<1x96x9216xf32>
    %swap3A_18 = vector.shape_cast %swap3A_17 : vector<1x96x9216xf32> to vector<96x9216xf32>
    %swap3A_19 = vector.shape_cast %dot_general3A_14 : vector<96x9216xf32> to vector<1x96x9216xf32>
    tpu.vector_store %arg4[%swap3A, %swap3A_15, %swap3A_16], %swap3A_19 {strides = array<i32>} : memref<2x96x9216xf32, #tpu.memory_space<vmem>>, vector<1x96x9216xf32>,
    %eq3A = arith.constant 0.000000e+00 : f32
    %eq3A_20 = vector.broadcast %eq3A : f32 to vector<1x9216xf32>
    %eq3A_21 = arith.cmpf oeq, %broadcast_in_dim3A, %eq3A_20 : vector<1x9216xf32>
    %jit3A = arith.constant 0.000000e+00 : f32
    %broadcast_in_dim3A_22 = vector.broadcast %jit3A : f32 to vector<1x9216xf32>
    %select_n3A = arith.select %eq3A_21, %broadcast_in_dim3A_22, %broadcast_in_dim3A : vector<1x9216xi1>, vector<1x9216xf32>
    %squeeze3A = vector.shape_cast %select_n3A : vector<1x9216xf32> to vector<9216xf32>
    %swap3A_23 = arith.constant 0 : index
    %swap3A_24 = arith.constant 0 : index
    %swap3A_25 = arith.constant 0 : index
    %swap3A_26 = vector.load %arg5[%swap3A_23, %swap3A_24, %swap3A_25] : memref<2x1x9344xf32, #tpu.memory_space<vmem>>, vector<1x1x9216xf32>
    %swap3A_27 = vector.shape_cast %swap3A_26 : vector<1x1x9216xf32> to vector<9216xf32>
    %swap3A_28 = vector.shape_cast %squeeze3A : vector<9216xf32> to vector<1x1x9216xf32>
    tpu.vector_store %arg5[%swap3A_23, %swap3A_24, %swap3A_25], %swap3A_28 {strides = array<i32>} : memref<2x1x9344xf32, #tpu.memory_space<vmem>>, vector<1x1x9216xf32>,
    %reshape3A = vector.shape_cast %select_n3A : vector<1x9216xf32> to vector<72x128xf32>
    %bitcast_convert_type3A = tpu.bitcast %reshape3A : vector<72x128xf32> -> vector<72x128xi32>
    %shift_right_arithmetic3A = arith.constant 31 : i32
    %shift_right_arithmetic3A_29 = vector.broadcast %shift_right_arithmetic3A : i32 to vector<72x128xi32>
    %shift_right_arithmetic3A_30 = arith.shrsi %bitcast_convert_type3A, %shift_right_arithmetic3A_29 : vector<72x128xi32>
    %and3A = arith.constant 2147483647 : i32
    %and3A_31 = vector.broadcast %and3A : i32 to vector<72x128xi32>
    %and3A_32 = arith.andi %shift_right_arithmetic3A_30, %and3A_31 : vector<72x128xi32>
    %xor3A = arith.xori %bitcast_convert_type3A, %and3A_32 : vector<72x128xi32>
    %get3A_33 = arith.constant 1 : index
    %get3A_34 = arith.constant 0 : index
    %get3A_35 = arith.constant 0 : index
    %get3A_36 = vector.load %arg2[%get3A_33, %get3A_34, %get3A_35] : memref<2x8x9216xf32, #tpu.memory_space<vmem>>, vector<1x8x9216xf32>
    %get3A_37 = vector.shape_cast %get3A_36 : vector<1x8x9216xf32> to vector<8x9216xf32>
    %reduce_max3A_38 = arith.constant dense<0xFF800000> : vector<9216xf32>
    %reduce_max3A_39 = vector.multi_reduction <maximumf>, %get3A_37, %reduce_max3A_38 [0] : vector<8x9216xf32> to vector<9216xf32>
    %broadcast_in_dim3A_40 = vector.shape_cast %reduce_max3A_39 : vector<9216xf32> to vector<1x9216xf32>
    %get3A_41 = arith.constant 1 : index
    %get3A_42 = arith.constant 0 : index
    %get3A_43 = arith.constant 0 : index
    %get3A_44 = vector.load %arg1[%get3A_41, %get3A_42, %get3A_43] : memref<2x96x9216xf32, #tpu.memory_space<vmem>>, vector<1x96x9216xf32>
    %get3A_45 = vector.shape_cast %get3A_44 : vector<1x96x9216xf32> to vector<96x9216xf32>
    %mul3A_46 = vector.broadcast %broadcast_in_dim3A_40 : vector<1x9216xf32> to vector<96x9216xf32>
    %mul3A_47 = arith.mulf %get3A_45, %mul3A_46 : vector<96x9216xf32>
    %concatenate3A_48 = tpu.concatenate %mul3A_47, %broadcast_in_dim3A_40 in 0 : vector<96x9216xf32>, vector<1x9216xf32> -> vector<97x9216xf32>
    %get3A_49 = arith.constant 0 : index
    %get3A_50 = arith.constant 0 : index
    %get3A_51 = vector.load %arg3[%get3A_49, %get3A_50] : memref<96x97xf32, #tpu.memory_space<vmem>>, vector<96x97xf32>
    %dot_general3A_52 = arith.constant dense<0.000000e+00> : vector<96x9216xf32>
    %dot_general3A_53 = tpu.matmul %get3A_51, %concatenate3A_48, %dot_general3A_52 {dimension_numbers = #tpu.dot_dimension_numbers<[1], [0], [0], [1], [0, 0, 1, 1], [], []>, transpose_lhs_hint = false} : vector<96x97xf32>, vector<97x9216xf32>, vector<96x9216xf32> -> vector<96x9216xf32>
    %swap3A_54 = arith.constant 1 : index
    %swap3A_55 = arith.constant 0 : index
    %swap3A_56 = arith.constant 0 : index
    %swap3A_57 = vector.load %arg4[%swap3A_54, %swap3A_55, %swap3A_56] : memref<2x96x9216xf32, #tpu.memory_space<vmem>>, vector<1x96x9216xf32>
    %swap3A_58 = vector.shape_cast %swap3A_57 : vector<1x96x9216xf32> to vector<96x9216xf32>
    %swap3A_59 = vector.shape_cast %dot_general3A_53 : vector<96x9216xf32> to vector<1x96x9216xf32>
    tpu.vector_store %arg4[%swap3A_54, %swap3A_55, %swap3A_56], %swap3A_59 {strides = array<i32>} : memref<2x96x9216xf32, #tpu.memory_space<vmem>>, vector<1x96x9216xf32>,
    %eq3A_60 = arith.constant 0.000000e+00 : f32
    %eq3A_61 = vector.broadcast %eq3A_60 : f32 to vector<1x9216xf32>
    %eq3A_62 = arith.cmpf oeq, %broadcast_in_dim3A_40, %eq3A_61 : vector<1x9216xf32>
    %jit3A_63 = arith.constant 0.000000e+00 : f32
    %broadcast_in_dim3A_64 = vector.broadcast %jit3A_63 : f32 to vector<1x9216xf32>
    %select_n3A_65 = arith.select %eq3A_62, %broadcast_in_dim3A_64, %broadcast_in_dim3A_40 : vector<1x9216xi1>, vector<1x9216xf32>
    %squeeze3A_66 = vector.shape_cast %select_n3A_65 : vector<1x9216xf32> to vector<9216xf32>
    %swap3A_67 = arith.constant 1 : index
    %swap3A_68 = arith.constant 0 : index
    %swap3A_69 = arith.constant 0 : index
    %swap3A_70 = vector.load %arg5[%swap3A_67, %swap3A_68, %swap3A_69] : memref<2x1x9344xf32, #tpu.memory_space<vmem>>, vector<1x1x9216xf32>
    %swap3A_71 = vector.shape_cast %swap3A_70 : vector<1x1x9216xf32> to vector<9216xf32>
    %swap3A_72 = vector.shape_cast %squeeze3A_66 : vector<9216xf32> to vector<1x1x9216xf32>
    tpu.vector_store %arg5[%swap3A_67, %swap3A_68, %swap3A_69], %swap3A_72 {strides = array<i32>} : memref<2x1x9344xf32, #tpu.memory_space<vmem>>, vector<1x1x9216xf32>,
    %reshape3A_73 = vector.shape_cast %select_n3A_65 : vector<1x9216xf32> to vector<72x128xf32>
    %bitcast_convert_type3A_74 = tpu.bitcast %reshape3A_73 : vector<72x128xf32> -> vector<72x128xi32>
    %shift_right_arithmetic3A_75 = arith.constant 31 : i32
    %shift_right_arithmetic3A_76 = vector.broadcast %shift_right_arithmetic3A_75 : i32 to vector<72x128xi32>
    %shift_right_arithmetic3A_77 = arith.shrsi %bitcast_convert_type3A_74, %shift_right_arithmetic3A_76 : vector<72x128xi32>
    %and3A_78 = arith.constant 2147483647 : i32
    %and3A_79 = vector.broadcast %and3A_78 : i32 to vector<72x128xi32>
    %and3A_80 = arith.andi %shift_right_arithmetic3A_77, %and3A_79 : vector<72x128xi32>
    %xor3A_81 = arith.xori %bitcast_convert_type3A_74, %and3A_80 : vector<72x128xi32>
    %scan3A = arith.constant -2147483648 : i32
    %scan3A_82 = arith.constant -2147483648 : i32
    %scan3A_83 = arith.constant 0 : i32
    %scan3A_84 = arith.constant 32 : i32
    %scan3A_85 = arith.addi %scan3A_83, %scan3A_84 : i32
    %scan3A_86 = arith.constant 1 : i32
    %scan3A_87:2 = scf.for %scan3A_141 = %scan3A_83 to %scan3A_85 step %scan3A_86 iter_args(%scan3A_142 = %scan3A, %scan3A_143 = %scan3A_82) -> (i32, i32)  : i32 {
      %sub3A = arith.constant 31 : i32
      %sub3A_144 = arith.subi %sub3A, %scan3A_141 : i32
      %shift_left3A = arith.constant 1 : i32
      %shift_left3A_145 = arith.shli %shift_left3A, %sub3A_144 : i32
      %add3A = arith.addi %scan3A_142, %shift_left3A_145 : i32
      %ge3A = vector.broadcast %add3A : i32 to vector<72x128xi32>
      %ge3A_146 = arith.cmpi sge, %xor3A, %ge3A : vector<72x128xi32>
      %convert_element_type3A_147 = arith.extui %ge3A_146 : vector<72x128xi1> to vector<72x128xi32>
      %reduce_sum3A_148 = vector.shape_cast %convert_element_type3A_147 : vector<72x128xi32> to vector<1x72x128xi32>
      %reduce_sum3A_149 = arith.constant dense<0> : vector<1xi32>
      %reduce_sum3A_150 = vector.multi_reduction <add>, %reduce_sum3A_148, %reduce_sum3A_149 [1, 2] : vector<1x72x128xi32> to vector<1xi32>
      %reduce_sum3A_151 = vector.shape_cast %reduce_sum3A_150 : vector<1xi32> to vector<1x1x1xi32>
      %reduce_sum3A_152 = vector.extract %reduce_sum3A_151[0, 0, 0] : i32 from vector<1x1x1xi32>
      %ge3A_153 = arith.constant 1024 : i32
      %ge3A_154 = arith.cmpi sge, %reduce_sum3A_152, %ge3A_153 : i32
      %select_n3A_155 = arith.select %ge3A_154, %add3A, %scan3A_142 : i32
      %add3A_156 = arith.addi %scan3A_143, %shift_left3A_145 : i32
      %ge3A_157 = vector.broadcast %add3A_156 : i32 to vector<72x128xi32>
      %ge3A_158 = arith.cmpi sge, %xor3A_81, %ge3A_157 : vector<72x128xi32>
      %convert_element_type3A_159 = arith.extui %ge3A_158 : vector<72x128xi1> to vector<72x128xi32>
      %reduce_sum3A_160 = vector.shape_cast %convert_element_type3A_159 : vector<72x128xi32> to vector<1x72x128xi32>
      %reduce_sum3A_161 = arith.constant dense<0> : vector<1xi32>
      %reduce_sum3A_162 = vector.multi_reduction <add>, %reduce_sum3A_160, %reduce_sum3A_161 [1, 2] : vector<1x72x128xi32> to vector<1xi32>
      %reduce_sum3A_163 = vector.shape_cast %reduce_sum3A_162 : vector<1xi32> to vector<1x1x1xi32>
      %reduce_sum3A_164 = vector.extract %reduce_sum3A_163[0, 0, 0] : i32 from vector<1x1x1xi32>
      %ge3A_165 = arith.constant 1024 : i32
      %ge3A_166 = arith.cmpi sge, %reduce_sum3A_164, %ge3A_165 : i32
      %select_n3A_167 = arith.select %ge3A_166, %add3A_156, %scan3A_143 : i32
      scf.yield %select_n3A_155, %select_n3A_167 : i32, i32
    }
    %scan3A_88 = arith.constant 32 : i32
    %iota3A = tpu.iota {dimensions = array<i32: 1>} : vector<1x128xi32>
    %gt3A = vector.broadcast %scan3A_87#0 : i32 to vector<72x128xi32>
    %gt3A_89 = arith.cmpi sgt, %xor3A, %gt3A : vector<72x128xi32>
    %convert_element_type3A = arith.extui %gt3A_89 : vector<72x128xi1> to vector<72x128xi32>
    %reduce_sum3A = vector.shape_cast %convert_element_type3A : vector<72x128xi32> to vector<1x72x128xi32>
    %reduce_sum3A_90 = arith.constant dense<0> : vector<1xi32>
    %reduce_sum3A_91 = vector.multi_reduction <add>, %reduce_sum3A, %reduce_sum3A_90 [1, 2] : vector<1x72x128xi32> to vector<1xi32>
    %reduce_sum3A_92 = vector.shape_cast %reduce_sum3A_91 : vector<1xi32> to vector<1x1x1xi32>
    %reduce_sum3A_93 = vector.extract %reduce_sum3A_92[0, 0, 0] : i32 from vector<1x1x1xi32>
    %shift_right_arithmetic3A_94 = arith.constant 31 : i32
    %shift_right_arithmetic3A_95 = arith.shrsi %scan3A_87#0, %shift_right_arithmetic3A_94 : i32
    %and3A_96 = arith.constant 2147483647 : i32
    %and3A_97 = arith.andi %shift_right_arithmetic3A_95, %and3A_96 : i32
    %xor3A_98 = arith.xori %scan3A_87#0, %and3A_97 : i32
    %bitcast_convert_type3A_99 = arith.bitcast %xor3A_98 : i32 to f32
    %bitcast_convert_type3A_100 = arith.bitcast %reduce_sum3A_93 : i32 to f32
    %lt3A = arith.constant 16 : i32
    %lt3A_101 = vector.broadcast %lt3A : i32 to vector<1x128xi32>
    %lt3A_102 = arith.cmpi slt, %iota3A, %lt3A_101 : vector<1x128xi32>
    %broadcast_in_dim3A_103 = vector.broadcast %bitcast_convert_type3A_99 : f32 to vector<1x128xf32>
    %broadcast_in_dim3A_104 = vector.broadcast %bitcast_convert_type3A_100 : f32 to vector<1x128xf32>
    %select_n3A_105 = arith.select %lt3A_102, %broadcast_in_dim3A_103, %broadcast_in_dim3A_104 : vector<1x128xi1>, vector<1x128xf32>
    %squeeze3A_106 = vector.shape_cast %select_n3A_105 : vector<1x128xf32> to vector<128xf32>
    %swap3A_107 = arith.constant 0 : index
    %swap3A_108 = arith.constant 0 : index
    %swap3A_109 = arith.constant 9216 : index
    %swap3A_110 = vector.load %arg5[%swap3A_107, %swap3A_108, %swap3A_109] : memref<2x1x9344xf32, #tpu.memory_space<vmem>>, vector<1x1x128xf32>
    %swap3A_111 = vector.shape_cast %swap3A_110 : vector<1x1x128xf32> to vector<128xf32>
    %swap3A_112 = vector.shape_cast %squeeze3A_106 : vector<128xf32> to vector<1x1x128xf32>
    tpu.vector_store %arg5[%swap3A_107, %swap3A_108, %swap3A_109], %swap3A_112 {strides = array<i32>} : memref<2x1x9344xf32, #tpu.memory_space<vmem>>, vector<1x1x128xf32>,
    %gt3A_113 = vector.broadcast %scan3A_87#1 : i32 to vector<72x128xi32>
    %gt3A_114 = arith.cmpi sgt, %xor3A_81, %gt3A_113 : vector<72x128xi32>
    %convert_element_type3A_115 = arith.extui %gt3A_114 : vector<72x128xi1> to vector<72x128xi32>
    %reduce_sum3A_116 = vector.shape_cast %convert_element_type3A_115 : vector<72x128xi32> to vector<1x72x128xi32>
    %reduce_sum3A_117 = arith.constant dense<0> : vector<1xi32>
    %reduce_sum3A_118 = vector.multi_reduction <add>, %reduce_sum3A_116, %reduce_sum3A_117 [1, 2] : vector<1x72x128xi32> to vector<1xi32>
    %reduce_sum3A_119 = vector.shape_cast %reduce_sum3A_118 : vector<1xi32> to vector<1x1x1xi32>
    %reduce_sum3A_120 = vector.extract %reduce_sum3A_119[0, 0, 0] : i32 from vector<1x1x1xi32>
    %shift_right_arithmetic3A_121 = arith.constant 31 : i32
    %shift_right_arithmetic3A_122 = arith.shrsi %scan3A_87#1, %shift_right_arithmetic3A_121 : i32
    %and3A_123 = arith.constant 2147483647 : i32
    %and3A_124 = arith.andi %shift_right_arithmetic3A_122, %and3A_123 : i32
    %xor3A_125 = arith.xori %scan3A_87#1, %and3A_124 : i32
    %bitcast_convert_type3A_126 = arith.bitcast %xor3A_125 : i32 to f32
    %bitcast_convert_type3A_127 = arith.bitcast %reduce_sum3A_120 : i32 to f32
    %lt3A_128 = arith.constant 16 : i32
    %lt3A_129 = vector.broadcast %lt3A_128 : i32 to vector<1x128xi32>
    %lt3A_130 = arith.cmpi slt, %iota3A, %lt3A_129 : vector<1x128xi32>
    %broadcast_in_dim3A_131 = vector.broadcast %bitcast_convert_type3A_126 : f32 to vector<1x128xf32>
    %broadcast_in_dim3A_132 = vector.broadcast %bitcast_convert_type3A_127 : f32 to vector<1x128xf32>
    %select_n3A_133 = arith.select %lt3A_130, %broadcast_in_dim3A_131, %broadcast_in_dim3A_132 : vector<1x128xi1>, vector<1x128xf32>
    %squeeze3A_134 = vector.shape_cast %select_n3A_133 : vector<1x128xf32> to vector<128xf32>
    %swap3A_135 = arith.constant 1 : index
    %swap3A_136 = arith.constant 0 : index
    %swap3A_137 = arith.constant 9216 : index
    %swap3A_138 = vector.load %arg5[%swap3A_135, %swap3A_136, %swap3A_137] : memref<2x1x9344xf32, #tpu.memory_space<vmem>>, vector<1x1x128xf32>
    %swap3A_139 = vector.shape_cast %swap3A_138 : vector<1x1x128xf32> to vector<128xf32>
    %swap3A_140 = vector.shape_cast %squeeze3A_134 : vector<128xf32> to vector<1x1x128xf32>
    tpu.vector_store %arg5[%swap3A_135, %swap3A_136, %swap3A_137], %swap3A_140 {strides = array<i32>} : memref<2x1x9344xf32, #tpu.memory_space<vmem>>, vector<1x1x128xf32>,
    return
  }
  func.func @transform_0(%arg0: i32) -> (i32, i32, i32) {
    %c0_i32 = arith.constant 0 : i32
    %c0_i32_0 = arith.constant 0 : i32
    %c0_i32_1 = arith.constant 0 : i32
    return %arg0, %c0_i32, %c0_i32_0 : i32, i32, i32
  }
  func.func @transform_1(%arg0: i32) -> (i32, i32, i32) {
    %c0_i32 = arith.constant 0 : i32
    %c0_i32_0 = arith.constant 0 : i32
    %c0_i32_1 = arith.constant 0 : i32
    return %arg0, %c0_i32, %c0_i32_0 : i32, i32, i32
  }
  func.func @transform_2(%arg0: i32) -> (i32, i32) {
    %c0_i32 = arith.constant 0 : i32
    %c0_i32_0 = arith.constant 0 : i32
    %c0_i32_1 = arith.constant 0 : i32
    return %c0_i32, %c0_i32_0 : i32, i32
  }
  func.func @transform_3(%arg0: i32) -> (i32, i32, i32) {
    %c0_i32 = arith.constant 0 : i32
    %c0_i32_0 = arith.constant 0 : i32
    %c0_i32_1 = arith.constant 0 : i32
    return %arg0, %c0_i32, %c0_i32_0 : i32, i32, i32
  }
  func.func @transform_4(%arg0: i32) -> (i32, i32, i32) {
    %c0_i32 = arith.constant 0 : i32
    %c0_i32_0 = arith.constant 0 : i32
    %c0_i32_1 = arith.constant 0 : i32
    return %arg0, %c0_i32, %c0_i32_0 : i32, i32, i32
  }
}

</mosaic_0001>

<sc_bundles>
// kernel: kernel.4.cloned.1.call-start
scs
__scs_entry_jumppad:
0x0: {  	(pc) =	sbr.rel $0x88, $3  }
0x1: {  	(tag) =	ssettag $0x0;
	lr =	simm.s32 $0x1  }
0x2: {  	[smem:$0x3F9D] =	sst lr;
	_ =	strace $0xD0000000  }
0x3: {  	_ = 	snop  }
0x4: {  	_ = 	snop  }
0x5: {  	_ = 	snop  }
0x6: {  	_ = 	snop  }
0x7: {  	_ = 	snop  }
__scs_overlays_trampoline_lowered:
0x8: {  	[smem:$0x3FAC] =	sst s0  }
0x9: {  	[smem:$0x3FAD] =	sst s1  }
0xa: {  	[smem:$0x3FAE] =	sst s2  }
0xb: {  	[smem:$0x3FAF] =	sst s3  }
0xc: {  	[smem:$0x3FB0] =	sst s4  }
0xd: {  	[smem:$0x3FB1] =	sst s5  }
0xe: {  	[smem:$0x3FB2] =	sst s6  }
0xf: {  	[smem:$0x3FB3] =	sst s7  }
0x10: {  	[smem:$0x3FB4] =	sst s8  }
0x11: {  	[smem:$0x3FB5] =	sst s9;
	s0 =	simm.s32 @!p0 $0x0  }
0x12: {  	s1 =	sld [smem:$0x3F9B];
	s0 =	simm.s32 @p0 $0x1  }
0x13: {  	[smem:$0x3FB6] =	sst s0;
	s0 =	simm.s32 @!p1 $0x0  }
0x14: {  	s2 =	sld [smem:$0x3F9A];
	s0 =	simm.s32 @p1 $0x1  }
0x15: {  	[smem:$0x3FB7] =	sst s0;
	s0 =	simm.s32 @!p2 $0x0  }
0x16: {  	s3 =	sld [smem:$0x3FDB];
	s0 =	simm.s32 @p2 $0x1  }
0x17: {  	s4 =	simm.s32 $0x1BF5;
	[smem:$0x3FB9] =	sst s0  }
0x18: {  	s0 =	sld [smem:$0x3F9C];
	_ =	swait.ge [sflag:s4], $0x0  }
0x19: {  	s7 =	sld [smem:$0x3F9D]  }
0x1a: {  	s8 =	sadd.s32 $0xFFFFE003, lr  }
0x1b: {  	s9 =	sadd.s32 $0xFFFFFEF7, lr;
	s5 =	simm.s32 $0xFFFFFFFF;
	p2 =	slt.u32 s8, $0xFFFFF086  }
0x1c: {  	p1 =	slt.u32 s9, $0xF7A;
	s5 =	simm.s32 @!p2 $0x0  }
0x1d: {  	s5 =	simm.s32 @p1 $0x1;
	p0 =	seq.s32 s7, s2  }
0x1e: {  	s7 =	smul.u32 @!p0 $0xF7A, s2;
	p2 =	seq.s32 @!p0 s5, $0x0  }
0x1f: {  	s9 =	smul.u32 $0xF7A, s1;
	s8 =	simm.s32 @!p0 $0x1BF5;
	p2 =	por !p2, p0  }
0x20: {  	[sflag:s8] =	ssyncset.s32 @!p0 $0xFFFFF086;
	s6 =	sadd.s32 @!p0 s3, s7;
	s7 =	simm.s32 @!p0 $0x108  }
0x21: {  	s3 =	sadd.s32 s3, s9;
	s6 =	sadd.s32 @!p0 $0x88, s6;
	s7 =	simm.s32 @p2 $0x1082  }
0x22: {  	[simem:s7], [sflag:s8] =	dma.local @!p0 [hbm:s6], $0xF7A  }
0x23: {  	s9 =	sor.u32 $0xD0000000, s2;
	s6 =	simm.s32 $0x108;
	_ =	swait.ge @!p0 [sflag:s8], $0x0  }
0x24: {  	s3 =	sadd.s32 $0x88, s3;
	s6 =	simm.s32 @!p1 $0x1082;
	[sflag:s4] =	ssyncset.s32 $0xFFFFF086  }
0x25: {  	[simem:s6], [sflag:s4] =	dma.local [hbm:s3], $0xF7A  }
0x26: {  	[smem:$0x3F9D] =	sst s1;
	(tag) =	ssettag s2;
	_ =	strace s9  }
0x27: {  	s1 =	sld [smem:$0x3FAD]  }
0x28: {  	s2 =	sld [smem:$0x3FAE]  }
0x29: {  	s4 =	sld [smem:$0x3FB0]  }
0x2a: {  	p0 =	seq.s32 s5, $0x0;
	s5 =	sld [smem:$0x3FB1]  }
0x2b: {  	s6 =	sld [smem:$0x3FB2]  }
0x2c: {  	s7 =	sld [smem:$0x3FB3]  }
0x2d: {  	s3 =	simm.s32 $0x108;
	s8 =	sld [smem:$0x3FB4]  }
0x2e: {  	s3 =	simm.s32 @!p0 $0x1082;
	s9 =	sld [smem:$0x3FB5]  }
0x2f: {  	lr =	sadd.s32 s0, s3;
	s0 =	sld [smem:$0x3FAC]  }
0x30: {  	s3 =	sld [smem:$0x3FAF]  }
0x31: {  	[smem:$0x3FB8] =	sst s10  }
0x32: {  	s10 =	sld [smem:$0x3FB6];
	_ =	sdelay $0x3  }
0x33: {  	p0 =	seq.s32 s10, $0x1;
	s10 =	sld [smem:$0x3FB8];
	_ =	sdelay $0x3  }
0x34: {  	[smem:$0x3FB8] =	sst s10  }
0x35: {  	s10 =	sld [smem:$0x3FB7];
	_ =	sdelay $0x3  }
0x36: {  	p1 =	seq.s32 s10, $0x1;
	s10 =	sld [smem:$0x3FB8];
	_ =	sdelay $0x3  }
0x37: {  	[smem:$0x3FB8] =	sst s10  }
0x38: {  	s10 =	sld [smem:$0x3FB9]  }
0x39: {  	_ = 	snop;
	(pc) =	sbr.ind lr, $3  }
0x3a: {  	_ = 	snop  }
0x3b: {  	_ = 	snop  }
0x3c: {  	p2 =	seq.s32 s10, $0x1;
	s10 =	sld [smem:$0x3FB8]  }
0x3d: {  	_ =	shalt  }
0x3e: {  	_ =	shalt  }
0x3f: {  	_ =	shalt  }
0x40: {  	_ =	shalt  }
0x41: {  	_ =	shalt  }
0x42: {  	_ =	shalt  }
0x43: {  	_ =	shalt  }
0x44: {  	_ =	shalt  }
0x45: {  	_ =	shalt  }
0x46: {  	_ =	shalt  }
0x47: {  	_ =	shalt  }
0x48: {  	_ =	shalt  }
0x49: {  	_ =	shalt  }
0x4a: {  	_ =	shalt  }
0x4b: {  	_ =	shalt  }
0x4c: {  	_ =	shalt  }
0x4d: {  	_ =	shalt  }
0x4e: {  	_ =	shalt  }
0x4f: {  	_ =	shalt  }
0x50: {  	_ =	shalt  }
0x51: {  	_ =	shalt  }
0x52: {  	_ =	shalt  }
0x53: {  	_ =	shalt  }
0x54: {  	_ =	shalt  }
0x55: {  	_ =	shalt  }
0x56: {  	_ =	shalt  }
0x57: {  	_ =	shalt  }
0x58: {  	_ =	shalt  }
0x59: {  	_ =	shalt  }
0x5a: {  	_ =	shalt  }
0x5b: {  	_ =	shalt  }
0x5c: {  	_ =	shalt  }
0x5d: {  	_ =	shalt  }
0x5e: {  	_ =	shalt  }
0x5f: {  	_ =	shalt  }
0x60: {  	_ =	shalt  }
0x61: {  	_ =	shalt  }
0x62: {  	_ =	shalt  }
0x63: {  	_ =	shalt  }
0x64: {  	_ =	shalt  }
0x65: {  	_ =	shalt  }
0x66: {  	_ =	shalt  }
0x67: {  	_ =	shalt  }
0x68: {  	_ =	shalt  }
0x69: {  	_ =	shalt  }
0x6a: {  	_ =	shalt  }
0x6b: {  	_ =	shalt  }
0x6c: {  	_ =	shalt  }
0x6d: {  	_ =	shalt  }
0x6e: {  	_ =	shalt  }
0x6f: {  	_ =	shalt  }
0x70: {  	_ =	shalt  }
0x71: {  	_ =	shalt  }
0x72: {  	_ =	shalt  }
0x73: {  	_ =	shalt  }
0x74: {  	_ =	shalt  }
0x75: {  	_ =	shalt  }
0x76: {  	_ =	shalt  }
0x77: {  	_ =	shalt  }
0x78: {  	_ =	shalt  }
0x79: {  	_ =	shalt  }
0x7a: {  	_ =	shalt  }
0x7b: {  	_ =	shalt  }
0x7c: {  	_ =	shalt  }
0x7d: {  	_ =	shalt  }
0x7e: {  	_ =	shalt  }
0x7f: {  	_ =	shalt  }
0x80: {  	_ =	shalt  }
0x81: {  	_ =	shalt  }
0x82: {  	_ =	shalt  }
0x83: {  	_ =	shalt  }
0x84: {  	_ =	shalt  }
0x85: {  	_ =	shalt  }
0x86: {  	_ =	shalt  }
0x87: {  	_ =	shalt  }
.Lfunc_end0:
.L_simem_size_0:
called_computation_lowered:
.L_overlay_start_0:
0x88: {  	s2 =	sld [smem:$0x3FD9]  }
0x89: {  	s3 =	sld [smem:$0x3FFE];
	_ =	sdelay $0x1  }
0x8a: {  	s1 =	srdreg.scid  }
0x8b: {  	s0 =	sand.u32 $0x1, s1  }
0x8c: {  	s14 =	sshll.u32 s0, $0xA;
	s2 =	sadd.s32 s3, s2  }
0x8d: {  	s2 =	sadd.s32 s2, s14  }
0x8e: {  	[smem:$0x3FC4] =	sst s2  }
0x8f: {  	_ = 	snop  }
0x90: {  	s2 =	sld [smem:$0x3FD0];
	_ =	sdelay $0x2  }
0x91: {  	s15 =	simm.s32 $0xA;
	s4 =	simm.s32 $0x10  }
0x92: {  	[smem:s4], [sflag:s15] =	dma.local [hbm:s2], $0x1  }
0x93: {  	_ =	swait.eq [sflag:s15], $0x1  }
0x94: {  	[sflag:s15] =	ssyncset.done $0x0  }
0x95: {  	[sflag:s15] =	ssyncadd.s32 $0xFFFFFFFF  }
0x96: {  	s16 =	sld [smem:$0x11];
	(tm) =	ssettm $0x1  }
0x97: {  	s17 =	sld [smem:$0x3FFB];
	_ =	sdelay $0x3  }
0x98: {  	_ =	strace s17  }
0x99: {  	s3 =	sld [smem:$0x3FFC];
	_ =	sdelay $0x3  }
0x9a: {  	_ =	strace s3  }
0x9b: {  	s3 =	sld [smem:$0x3FFD];
	_ =	sdelay $0x3  }
0x9c: {  	_ =	strace s3  }
0x9d: {  	_ =	strace $0x8FFFFFFF  }
0x9e: {  	s18 =	sld [smem:$0x3FDB];
	_ =	sdelay $0x1  }
0x9f: {  	s19 =	simm.s32 $_scs_section_size  }
0xa0: {  	s5 =	simm.s32 $_size__tile_overlayer_lowered;
	s6 =	simm.s32 $_tile_overlayer_lowered  }
0xa1: {  	s22 =	simm.s32 $0x1BFF;
	s21 =	sshll.u32 s6, $0x1;
	s3 =	sadd.s32 s19, s18  }
0xa2: {  	s7 =	simm.s32 $0x0;
	s20 =	sshll.u32 s5, $0x1;
	s5 =	sadd.s32 s21, s3  }
0xa3: {  	[timem:s7], [sflag:s22] =	dma.local [hbm:s5], s20  }
0xa4: {  	_ =	swait.ge [sflag:s22], s20  }
0xa5: {  	s4 =	ssub.s32 $0x0, s20;
	[sflag:s22] =	ssyncset.done $0x0  }
0xa6: {  	[sflag:s22] =	ssyncadd.s32 s4;
	_ =	sdelay $0x1  }
0xa7: {  	s23 =	simm.s32 $0x1B8B  }
0xa8: {  	_ =	swait.ge [sflag:s23], $0x1  }
0xa9: {  	[sflag:s23] =	ssyncset.done $0x0  }
0xaa: {  	s25 =	simm.s32 $0x1B8E;
	s24 =	sld [smem:$0x3FFE];
	[sflag:s23] =	ssyncadd.s32 $0xFFFFFFFF  }
0xab: {  	s26 =	simm.s32 $execute0_lowered;
	[smem:$0x3FD2] =	sst s25  }
0xac: {  	s5 =	sshll.u32 s26, $0x1;
	_ =	strace $0x80000046;
	[dreg:$0x1] =	wrdreg $0xFFFFFFFF  }
0xad: {  	s28 =	simm.s32 $_size_execute0_lowered;
	s3 =	sadd.s32 s3, s5;
	[dreg:$0x0] =	wrdreg $0x0  }
0xae: {  	s5 =	sshll.u32 s28, $0x1;
	[dreg:$0x2] =	wrdreg s3  }
0xaf: {  	[dreg:$0x3] =	wrdreg s5  }
0xb0: {  	[dreg:$0x4] =	wrdreg $0xC0  }
0xb1: {  	_ =	task [dreg:s7], $0x5FFFF  }
0xb2: {  	[dreg:$0x1] =	wrdreg $0xFFFFFFFF  }
0xb3: {  	[dreg:$0x0] =	wrdreg $0x60  }
0xb4: {  	[dreg:$0x2] =	wrdreg s24  }
0xb5: {  	[dreg:$0x3] =	wrdreg s16  }
0xb6: {  	[dreg:$0x4] =	wrdreg $0x9  }
0xb7: {  	_ =	task.clear_ibuf [dreg:s7], $0x5FFFF;
	_ =	strace $0x90000046  }
0xb8: {  	s29 =	simm.s32 $0x9;
	_ =	strace $0x80000048  }
0xb9: {  	_ =	swait.ge [sflag:s29], $0x1  }
0xba: {  	[sflag:s29] =	ssyncadd.s32 $0xFFFFFFFF  }
0xbb: {  	_ =	strace $0x90000048  }
0xbc: {  	_ =	sfence  }
0xbd: {  	s30 =	sld [smem:$0x0];
	_ =	sdelay $0x2  }
0xbe: {  	s31 =	sshll.u32 s1, $0xD;
	s1 =	sshrl.u32 s1, $0x2  }
0xbf: {  	s3 =	sand.u32 $0x4000, s31;
	s1 =	sadd.s32 s1, s30  }
0xc0: {  	s0 =	sor.u32 s3, s0;
	s1 =	sshll.u32 s1, $0x11  }
0xc1: {  	s0 =	sor.u32 s1, s0  }
0xc2: {  	s0 =	sadd.s32 $0x8F2B, s0  }
0xc3: {  	[sflag:s0] =	ssyncadd.remote.s32 $0x1  }
0xc4: {  	_ =	sfence.sel $0xFFFF  }
0xc5: {  	[dreg:$0x0] =	wrdreg $0xFFFFFFFF;
	(pc) =	sbr.abs _section_cstart, $3  }
0xc6: {  	[dreg:$0x1] =	wrdreg $0xFFFFFFFF  }
0xc7: {  	_ =	task.clear_ibuf [dreg:s7], $0x2FFFF;
	_ =	strace $0x9FFFFFFF  }
0xc8: {  	(tm) =	ssettm $0x7FFFFFFF  }
0xc9: {  	_ =	shalt  }
tec
execute0_lowered:
.L_overlay_start_1:
0x0: {  	(tag) =	ssettag $0x1  }
0x1: {  	s3 =	rddreg [dreg:$0x0]  }
0x2: {  	s4 =	rddreg [dreg:$0x1]  }
0x3: {  	s0 =	rddreg [dreg:$0x2];
	s2 =	simm.s32 $0x0;
	s5 =	srdreg.scid  }
0x4: {  	s1 =	stileid.u32;
	s10 =	simm.s32 $0x0;
	s5 =	sand.u32 $0x1, s5  }
0x5: {  	s6 =	sshrl.u32 s1, $0x2;
	s7 =	sshll.u32 s1, $0x8;
	[smem:$0x7FF] =	sst s2  }
0x6: {  	s8 =	sshll.u32 s5, $0x7;
	s7 =	sand.u32 $0x300, s7;
	s9 =	smul.u32 $0x12400, s6  }
0x7: {  	_ =	strace $0x80000047;
	s5 =	ssub.s32 $0x2, s5;
	s7 =	sor.u32 s8, s7  }
0x8: {  	s6 =	sshll.u32 s6, $0xD;
	s31 =	sshrl.u32 s5, $0x1;
	s8 =	sor.u32 s9, s7  }
0x9: {  	s6 =	sor.u32 s6, s7;
	s5 =	ssub.s32 s5, s31;
	s7 =	simm.s32 $0x400  }
0xa: {  	s9 =	simm.s32 $0x2480;
	s8 =	sshrl.u32 s8, $0x3;
	s6 =	sshrl.u32 s6, $0x3  }
0xb: {  	s5 =	smax.u32 s5, $0x1;
	s3 =	sadd.s32 s8, s3;
	s4 =	sadd.s32 s4, s6  }
0xc: {  	v0 =	vimm.s32 $0x0;
	v1 =	vlaneseq.u32;
	s6 =	simm.s32 $0x80;
	s8 =	simm.s32 $0x1;
	s3 =	sadd.s32 $0x800, s3  }
.LBB2_1:
0xd: {  	[tilespmem:s2], [sflag:$0x1] =	stream.strided.gather [hbm4b:s3+s6], $0x2480, s7, s6, $0x38;
	[tilespmem:$0x2880] =	vst v63  }
0xe: {  	_ =	swait.ge [sflag:s8], $0x2480  }
0xf: {  	[sflag:s8] =	ssyncset.done $0x0  }
0x10: {  	[sflag:s8] =	ssyncadd.s32 $0xFFFFDB80  }
0x11: {  	v3 =	vld [tilespmem:$0x2410];
	_ =	sdelay $0x3  }
0x12: {  	v5 =	vimm.s32 $0x0;
	v2 =	vld [tilespmem:$0x2400]  }
0x13: {  	s12 =	simm.s32 $0x10;
	v6 =	vimm.s32 $0x0;
	s11 =	simm.s32 $0x0;
	s13 =	simm.s32 $0x0;
	v7 =	vld [tilespmem:s2+$0x0];
	v4 =	vsub.s32 $0x400, v3;
	v3 =	vimm.s32 $0x0  }
.LBB2_2:
0x14: {  	p0 =	sne.s32 s12, $0x23F0;
	_ =	sdelay $0x3  }
0x15: {  	vm0 =	veq.f32 v7, v2  }
0x16: {  	v8 =	vsel vm0, $0x1, v0  }
0x17: {  	(xrf0) =	vadd.scan.msk.s32 $0xffff, v8;
	_ =	sdelay $0x5  }
0x18: {  	v8, _, _ =	vpop (xrf0)  }
0x19: {  	v8 =	vadd.s32 v5, v8  }
0x1a: {  	vm1 =	vle.s32 v8, v4  }
0x1b: {  	vm2 =	vgt.f32 v7, v2;
	vm0 =	vmand vm0, vm1  }
0x1c: {  	vm1 =	vmor vm2, vm0;
	v7 =	vmpcnt.ones.xlane vm0  }
0x1d: {  	v8 =	vsel vm1, $0x1, v0;
	v9 =	vmpcnt.ones.xlane vm1  }
0x1e: {  	v5 =	vadd.s32 v5, v7;
	(xrf0) =	vadd.scan.msk.s32 $0xffff, v8  }
0x1f: {  	v6 =	vadd.s32 v6, v9;
	_ =	sdelay $0x4  }
0x20: {  	v7, _, _ =	vpop (xrf0)  }
0x21: {  	v7 =	vadd.s32 v7, v3;
	v3 =	vmov v6  }
0x22: {  	v7 =	vadd.s32 $0xFFFFFFFF, v7;
	_ =	sdelay $0x1  }
.Ltmp0:
0x23: {  	(pc) =	sbr.rel @p0 .LBB2_2-.Ltmp0, $4  }
0x24: {  	_ = 	snop  }
0x25: {  	v8 =	vor.u32 s11, v1;
	s11 =	smov.u32 s12  }
0x26: {  	s13 =	sadd.s32 $0x10, s13;
	[tilespmem:v7+s9+$0x0] =	vst.idx.msk vm1, v8  }
0x27: {  	s12 =	sadd.s32 $0x10, s12;
	v7 =	vld [tilespmem:s13+$0x0]  }
0x28: {  	_ =	sdelay $0x3  }
0x29: {  	vm0 =	veq.f32 v7, v2  }
0x2a: {  	v6 =	vsel vm0, $0x1, v0  }
0x2b: {  	(xrf0) =	vadd.scan.msk.s32 $0xffff, v6;
	_ =	sdelay $0x5  }
0x2c: {  	v6, _, _ =	vpop (xrf0)  }
0x2d: {  	v5 =	vadd.s32 v5, v6  }
0x2e: {  	vm1 =	vle.s32 v5, v4  }
0x2f: {  	vm2 =	vgt.f32 v7, v2;
	vm0 =	vmand vm0, vm1  }
0x30: {  	vm0 =	vmor vm2, vm0  }
0x31: {  	v2 =	vsel vm0, $0x1, v0  }
0x32: {  	(xrf0) =	vadd.scan.msk.s32 $0xffff, v2;
	_ =	sdelay $0x5  }
0x33: {  	v2, _, _ =	vpop (xrf0)  }
0x34: {  	v2 =	vadd.s32 v2, v3  }
0x35: {  	v2 =	vadd.s32 $0xFFFFFFFF, v2;
	_ =	sdelay $0x2  }
0x36: {  	s10 =	sadd.s32 $0x1, s10  }
0x37: {  	p0 =	sne.s32 s10, s5;
	v3 =	vor.u32 s11, v1  }
.Ltmp1:
0x38: {  	[tilespmem:v2+s9+$0x0] =	vst.idx.msk vm0, v3;
	(pc) =	sbr.rel @p0 .LBB2_1-.Ltmp1, $4  }
0x39: {  	[hbm4b:s4+s6] =	stream.strided.scatter [tilespmem:s9], [sflag:$0x1], $0x400, s7, s6, $0x38;
	[tilespmem:$0x2880] =	vst v63  }
0x3a: {  	_ =	swait.ge [sflag:s8], $0x400  }
0x3b: {  	[sflag:s8] =	ssyncset.done $0x0  }
0x3c: {  	[sflag:s8] =	ssyncadd.s32 $0xFFFFFC00  }
0x3d: {  	_ =	sfence.sel $0x180000  }
0x3e: {  	[bflag:$0x0] =	sbarrier.arrive $0xFFFF  }
0x3f: {  	p0 =	sne.s32 s1, $0x0;
	_ =	strace $0x90000047  }
0x40: {  	s0 =	sadd.s32 @!p0 $0x100000, s0;
	[bflag:$0x2] =	sbarrier.arrive $0xFFFF  }
0x41: {  	[sflag:s0] =	ssyncadd.tile.s32 @!p0 $0x1;
	_ =	shalt  }
.Lfunc_end2:
_tile_overlayer_lowered:
.L_overlay_start_2:
0x42: {  	(tag) =	ssettag $0x2  }
0x43: {  	s0 =	rddreg [dreg:$0x0];
	s2 =	stileid.u32  }
0x44: {  	s1 =	rddreg [dreg:$0x1];
	p0 =	sne.s32 s2, $0x0  }
0x45: {  	s3 =	rddreg [dreg:$0x2];
	[bflag:$0x3] =	sbarrier.arrive $0xFFFF;
	s2 =	simm.s32 @!p0 $0x1C01  }
0x46: {  	[timem:s3], [sflag:s2] =	dma.local @!p0 [hbm:s0], s1  }
0x47: {  	s0 =	simm.s32 @!p0 $0x1  }
0x48: {  	_ =	swait.ge @!p0 [sflag:s0], s1  }
0x49: {  	s1 =	ssub.s32 @!p0 $0x0, s1;
	[sflag:s0] =	ssyncset.done @!p0 $0x0  }
0x4a: {  	[sflag:s0] =	ssyncadd.s32 @!p0 s1  }
0x4b: {  	[bflag:$0x3] =	sbarrier.arrive $0xFFFF  }
0x4c: {  	_ =	shalt  }

</sc_bundles>
